<compile_context>
chip_gen: v7x
topology: tpu7x:2x2x1
jax: 0.10.2.dev20260603
libtpu: 0.0.44.dev20260713+nightly
codegen_flags: <defaults>
</compile_context>

<pallas_src>
import functools

import jax
import jax.numpy as jnp
from jax.experimental import pallas as pl
from jax.experimental.pallas import tpu as pltpu
from jax.experimental.pallas import tpu_sc as plsc

N_TOK = 32768
D_EMB = 256
N_HEAD = 8
N_SEG = 16
R = N_SEG * N_HEAD
BLK = 8192
NB = N_TOK // BLK
BIG = 49152.0

N_WORKERS = 32
TPW = N_TOK // N_WORKERS


def _sc_onehot_t(batch):
    mesh = plsc.VectorSubcoreMesh(core_axis_name="c", subcore_axis_name="s")

    @functools.partial(
        pl.kernel, mesh=mesh,
        out_type=jax.ShapeDtypeStruct((N_SEG, N_TOK), jnp.float32),
        scratch_types=[
            pltpu.VMEM((TPW,), jnp.int32),
            pltpu.VMEM((N_SEG, TPW), jnp.float32),
        ],
    )
    def k(batch_hbm, oht_hbm, idx_v, oht_v):
        wid = jax.lax.axis_index("s") * 2 + jax.lax.axis_index("c")
        base = wid * TPW
        pltpu.sync_copy(batch_hbm.at[pl.ds(base, TPW)], idx_v)

        @pl.loop(0, TPW, step=16)
        def _(c0):
            seg_v = idx_v[pl.ds(c0, 16)]
            for b in range(N_SEG):
                oht_v[b, pl.ds(c0, 16)] = jnp.where(
                    seg_v == b, 1.0, 0.0).astype(jnp.float32)

        pltpu.sync_copy(oht_v, oht_hbm.at[:, pl.ds(base, TPW)])

    return k(batch)


def _tc_body(x_ref, oh_ref, w_ref, o_ref, s_ref, acc_ref):
    i = pl.program_id(0)

    @pl.when(i == 0)
    def _():
        s_ref[...] = jnp.zeros((1, R), jnp.float32)
        acc_ref[...] = jnp.zeros((R, D_EMB), jnp.float32)

    xb = x_ref[...].astype(jnp.bfloat16)
    ohb = oh_ref[...].astype(jnp.bfloat16)
    att2 = jax.lax.dot_general(xb, w_ref[...], (((1,), (1,)), ((), ())),
                               preferred_element_type=jnp.float32)
    row_b = jax.lax.broadcasted_iota(jnp.int32, (N_SEG, R), 0)
    col_b = jax.lax.broadcasted_iota(jnp.int32, (N_SEG, R), 1) // N_HEAD
    bias = jnp.where(row_b == col_b, 0.0, -BIG).astype(jnp.bfloat16)
    mbias = jax.lax.dot_general(ohb, bias, (((0,), (0,)), ((), ())),
                                preferred_element_type=jnp.float32)
    e = jnp.exp2(att2 + mbias)
    s_ref[...] += jnp.sum(e, axis=0, keepdims=True)
    acc_ref[...] += jax.lax.dot_general(
        e.astype(jnp.bfloat16), xb, (((0,), (0,)), ((), ())),
        preferred_element_type=jnp.float32)

    @pl.when(i == NB - 1)
    def _():
        s = s_ref[...]
        inv = jnp.where(s == 0.0, 0.0, 1.0 / jnp.where(s == 0.0, 1.0, s))
        hn = acc_ref[...] * inv.T
        avg = jnp.where(row_b == col_b, 1.0 / N_HEAD, 0.0)
        o_ref[...] = jax.lax.dot_general(
            avg, hn, (((1,), (0,)), ((), ())),
            preferred_element_type=jnp.float32)


def kernel(x, batch, W):
    w128 = (jnp.tile(W, (N_SEG, 1)) * 1.4426950408889634).astype(jnp.bfloat16)
    oht = _sc_onehot_t(batch)
    return pl.pallas_call(
        _tc_body,
        grid=(NB,),
        in_specs=[
            pl.BlockSpec((BLK, D_EMB), lambda i: (i, 0)),
            pl.BlockSpec((N_SEG, BLK), lambda i: (0, i)),
            pl.BlockSpec((R, D_EMB), lambda i: (0, 0)),
        ],
        out_specs=pl.BlockSpec((N_SEG, D_EMB), lambda i: (0, 0)),
        out_shape=jax.ShapeDtypeStruct((N_SEG, D_EMB), jnp.float32),
        scratch_shapes=[
            pltpu.VMEM((1, R), jnp.float32),
            pltpu.VMEM((R, D_EMB), jnp.float32),
        ],
    )(x, oht, w128)

# --- scband reference (transcript-rebuilt; emitter-appended) ---
"""Pipeline reference for scband-easy-attention-aggregator-42279658062562 (READ-ONLY COPY).

The authoritative reference and input builder live on the scoring server;
editing this copy changes nothing except your own understanding.
"""

import jax, jax.numpy as jnp
import numpy as np

NUM_SEGMENTS = 16
TOTAL = 32768
EMBED_DIM = 256
NUM_HEADS = 8


def setup_inputs(seed: int = 0) -> dict:
    key = jax.random.key(seed)
    k1, k2, k3 = jax.random.split(key, 3)
    x = jax.random.normal(k1, (TOTAL, EMBED_DIM), dtype=jnp.float32)
    batch = jnp.sort(jax.random.randint(k2, (TOTAL,), 0, NUM_SEGMENTS, dtype=jnp.int32))
    # learned parameter: attention weights per head (torch init is zeros; use randn for a nontrivial reference)
    W = jax.random.normal(k3, (NUM_HEADS, EMBED_DIM), dtype=jnp.float32) * 0.05
    return {"x": x, "batch": batch, "W": W}


def reference(x, batch, W):
    # att: [N, H] one score per sample per head
    att = jnp.matmul(x, W.T)
    # segment-wise (per-batch) softmax over samples, per head
    seg_max = jax.ops.segment_max(att, batch, num_segments=NUM_SEGMENTS)  # [B, H]
    att_shift = att - seg_max[batch]
    att_exp = jnp.exp(att_shift)
    seg_sum = jax.ops.segment_sum(att_exp, batch, num_segments=NUM_SEGMENTS)  # [B, H]
    att_sm = att_exp / seg_sum[batch]  # [N, H]
    # weighted sum per segment: h[b, h, d] = sum_{i in b} att_sm[i, h] * x[i, d]
    contrib = att_sm[:, :, None] * x[:, None, :]  # [N, H, D]
    h = jax.ops.segment_sum(contrib, batch, num_segments=NUM_SEGMENTS)  # [B, H, D]
    # cat=False -> average over heads
    h = h.mean(axis=1)  # [B, D]
    return h

if __name__ == "__main__":
    import jax
    _d = setup_inputs()
    print(jax.jit(kernel)(*tuple(_d.values())))

</pallas_src>

<mosaic_0001>
#map = affine_map<(d0, d1) -> (0)>
#map1 = affine_map<(d0, d1) -> (0, 0)>
module attributes {stable_mosaic.version = 14 : i64} {
  func.func @k(%arg0: i32, %arg1: i32, %arg2: memref<32768xi32, #tpu.memory_space<hbm>>, %arg3: memref<16x32768xf32, #tpu.memory_space<hbm>>, %arg4: memref<1024xi32, #tpu.memory_space<vmem>>, %arg5: memref<16x1024xf32, #tpu.memory_space<vmem>>) attributes {dimension_semantics = [#tpu.dimension_semantics<core_parallel>, #tpu.dimension_semantics<subcore_parallel>], iteration_bounds = array<i64: 2, 16>, scalar_prefetch = 0 : i64, scratch_operands = 2 : i64, tpu.core_type = #tpu.core_type<sc_vector_subcore>, window_params = [{transform_indices = #map}, {transform_indices = #map1}]} {
    %mul3A = arith.constant 2 : i32
    %mul3A_0 = arith.muli %arg1, %mul3A : i32
    %add3A = arith.addi %mul3A_0, %arg0 : i32
    %mul3A_1 = arith.constant 1024 : i32
    %mul3A_2 = arith.muli %add3A, %mul3A_1 : i32
    "tpu.region"() ({
      %run_scoped3A = tpu.sem_alloc : memref<!tpu.dma_semaphore, #tpu.memory_space<semaphore_mem>>
      %dma_start3A = tpu.memref_slice %arg2[%mul3A_2] : memref<32768xi32, #tpu.memory_space<hbm>> -> memref<1024xi32, #tpu.memory_space<hbm>>
      %dma_start3A_7 = tpu.memref_slice %arg2[%mul3A_2] : memref<32768xi32, #tpu.memory_space<hbm>> -> memref<1024xi32, #tpu.memory_space<hbm>>
      tpu.enqueue_dma source(%dma_start3A_7 : memref<1024xi32, #tpu.memory_space<hbm>>) target(%arg4 : memref<1024xi32, #tpu.memory_space<vmem>>) target_semaphore(%run_scoped3A : memref<!tpu.dma_semaphore, #tpu.memory_space<semaphore_mem>>)
      %dma_wait3A = tpu.memref_slice %arg2[%mul3A_2] : memref<32768xi32, #tpu.memory_space<hbm>> -> memref<1024xi32, #tpu.memory_space<hbm>>
      %dma_wait3A_8 = tpu.memref_slice %arg2[%mul3A_2] : memref<32768xi32, #tpu.memory_space<hbm>> -> memref<1024xi32, #tpu.memory_space<hbm>>
      tpu.wait_dma2 semaphore(%run_scoped3A : memref<!tpu.dma_semaphore, #tpu.memory_space<semaphore_mem>>) src(%dma_wait3A_8 : memref<1024xi32, #tpu.memory_space<hbm>>) dst(%arg4 : memref<1024xi32, #tpu.memory_space<vmem>>)
      tpu.yield
    }) : () -> ()
    %scan3A = arith.constant 0 : i32
    %scan3A_3 = arith.constant 64 : i32
    %scan3A_4 = arith.addi %scan3A, %scan3A_3 : i32
    %scan3A_5 = arith.constant 1 : i32
    scf.for %scan3A_7 = %scan3A to %scan3A_4 step %scan3A_5  : i32 {
      %mul3A_8 = arith.constant 16 : i32
      %mul3A_9 = arith.muli %scan3A_7, %mul3A_8 : i32
      %add3A_10 = arith.constant 0 : i32
      %add3A_11 = arith.addi %add3A_10, %mul3A_9 : i32
      %get3A = arith.index_cast %add3A_11 : i32 to index
      %get3A_12 = tpu.vector_load %arg4[%get3A] {strides = array<i32>} : memref<1024xi32, #tpu.memory_space<vmem>>, vector<16xi32>,
      %get3A_13 = vector.shape_cast %get3A_12 : vector<16xi32> to vector<16xi32>
      %eq3A = arith.constant 0 : i32
      %eq3A_14 = vector.broadcast %eq3A : i32 to vector<16xi32>
      %eq3A_15 = arith.cmpi eq, %get3A_13, %eq3A_14 : vector<16xi32>
      %jit3A = arith.constant 1.000000e+00 : f32
      %jit3A_16 = arith.constant 0.000000e+00 : f32
      %broadcast_in_dim3A = vector.broadcast %jit3A : f32 to vector<16xf32>
      %broadcast_in_dim3A_17 = vector.broadcast %jit3A_16 : f32 to vector<16xf32>
      %select_n3A = arith.select %eq3A_15, %broadcast_in_dim3A, %broadcast_in_dim3A_17 : vector<16xi1>, vector<16xf32>
      %swap3A = arith.constant 0 : i32
      %swap3A_18 = arith.index_cast %swap3A : i32 to index
      %swap3A_19 = arith.index_cast %add3A_11 : i32 to index
      %swap3A_20 = tpu.vector_load %arg5[%swap3A_18, %swap3A_19] {strides = array<i32>} : memref<16x1024xf32, #tpu.memory_space<vmem>>, vector<1x16xf32>,
      %swap3A_21 = vector.shape_cast %swap3A_20 : vector<1x16xf32> to vector<16xf32>
      %swap3A_22 = vector.shape_cast %select_n3A : vector<16xf32> to vector<1x16xf32>
      tpu.vector_store %arg5[%swap3A_18, %swap3A_19], %swap3A_22 {strides = array<i32>} : memref<16x1024xf32, #tpu.memory_space<vmem>>, vector<1x16xf32>,
      %eq3A_23 = arith.constant 1 : i32
      %eq3A_24 = vector.broadcast %eq3A_23 : i32 to vector<16xi32>
      %eq3A_25 = arith.cmpi eq, %get3A_13, %eq3A_24 : vector<16xi32>
      %jit3A_26 = arith.constant 1.000000e+00 : f32
      %jit3A_27 = arith.constant 0.000000e+00 : f32
      %broadcast_in_dim3A_28 = vector.broadcast %jit3A_26 : f32 to vector<16xf32>
      %broadcast_in_dim3A_29 = vector.broadcast %jit3A_27 : f32 to vector<16xf32>
      %select_n3A_30 = arith.select %eq3A_25, %broadcast_in_dim3A_28, %broadcast_in_dim3A_29 : vector<16xi1>, vector<16xf32>
      %swap3A_31 = arith.constant 1 : i32
      %swap3A_32 = arith.index_cast %swap3A_31 : i32 to index
      %swap3A_33 = arith.index_cast %add3A_11 : i32 to index
      %swap3A_34 = tpu.vector_load %arg5[%swap3A_32, %swap3A_33] {strides = array<i32>} : memref<16x1024xf32, #tpu.memory_space<vmem>>, vector<1x16xf32>,
      %swap3A_35 = vector.shape_cast %swap3A_34 : vector<1x16xf32> to vector<16xf32>
      %swap3A_36 = vector.shape_cast %select_n3A_30 : vector<16xf32> to vector<1x16xf32>
      tpu.vector_store %arg5[%swap3A_32, %swap3A_33], %swap3A_36 {strides = array<i32>} : memref<16x1024xf32, #tpu.memory_space<vmem>>, vector<1x16xf32>,
      %eq3A_37 = arith.constant 2 : i32
      %eq3A_38 = vector.broadcast %eq3A_37 : i32 to vector<16xi32>
      %eq3A_39 = arith.cmpi eq, %get3A_13, %eq3A_38 : vector<16xi32>
      %jit3A_40 = arith.constant 1.000000e+00 : f32
      %jit3A_41 = arith.constant 0.000000e+00 : f32
      %broadcast_in_dim3A_42 = vector.broadcast %jit3A_40 : f32 to vector<16xf32>
      %broadcast_in_dim3A_43 = vector.broadcast %jit3A_41 : f32 to vector<16xf32>
      %select_n3A_44 = arith.select %eq3A_39, %broadcast_in_dim3A_42, %broadcast_in_dim3A_43 : vector<16xi1>, vector<16xf32>
      %swap3A_45 = arith.constant 2 : i32
      %swap3A_46 = arith.index_cast %swap3A_45 : i32 to index
      %swap3A_47 = arith.index_cast %add3A_11 : i32 to index
      %swap3A_48 = tpu.vector_load %arg5[%swap3A_46, %swap3A_47] {strides = array<i32>} : memref<16x1024xf32, #tpu.memory_space<vmem>>, vector<1x16xf32>,
      %swap3A_49 = vector.shape_cast %swap3A_48 : vector<1x16xf32> to vector<16xf32>
      %swap3A_50 = vector.shape_cast %select_n3A_44 : vector<16xf32> to vector<1x16xf32>
      tpu.vector_store %arg5[%swap3A_46, %swap3A_47], %swap3A_50 {strides = array<i32>} : memref<16x1024xf32, #tpu.memory_space<vmem>>, vector<1x16xf32>,
      %eq3A_51 = arith.constant 3 : i32
      %eq3A_52 = vector.broadcast %eq3A_51 : i32 to vector<16xi32>
      %eq3A_53 = arith.cmpi eq, %get3A_13, %eq3A_52 : vector<16xi32>
      %jit3A_54 = arith.constant 1.000000e+00 : f32
      %jit3A_55 = arith.constant 0.000000e+00 : f32
      %broadcast_in_dim3A_56 = vector.broadcast %jit3A_54 : f32 to vector<16xf32>
      %broadcast_in_dim3A_57 = vector.broadcast %jit3A_55 : f32 to vector<16xf32>
      %select_n3A_58 = arith.select %eq3A_53, %broadcast_in_dim3A_56, %broadcast_in_dim3A_57 : vector<16xi1>, vector<16xf32>
      %swap3A_59 = arith.constant 3 : i32
      %swap3A_60 = arith.index_cast %swap3A_59 : i32 to index
      %swap3A_61 = arith.index_cast %add3A_11 : i32 to index
      %swap3A_62 = tpu.vector_load %arg5[%swap3A_60, %swap3A_61] {strides = array<i32>} : memref<16x1024xf32, #tpu.memory_space<vmem>>, vector<1x16xf32>,
      %swap3A_63 = vector.shape_cast %swap3A_62 : vector<1x16xf32> to vector<16xf32>
      %swap3A_64 = vector.shape_cast %select_n3A_58 : vector<16xf32> to vector<1x16xf32>
      tpu.vector_store %arg5[%swap3A_60, %swap3A_61], %swap3A_64 {strides = array<i32>} : memref<16x1024xf32, #tpu.memory_space<vmem>>, vector<1x16xf32>,
      %eq3A_65 = arith.constant 4 : i32
      %eq3A_66 = vector.broadcast %eq3A_65 : i32 to vector<16xi32>
      %eq3A_67 = arith.cmpi eq, %get3A_13, %eq3A_66 : vector<16xi32>
      %jit3A_68 = arith.constant 1.000000e+00 : f32
      %jit3A_69 = arith.constant 0.000000e+00 : f32
      %broadcast_in_dim3A_70 = vector.broadcast %jit3A_68 : f32 to vector<16xf32>
      %broadcast_in_dim3A_71 = vector.broadcast %jit3A_69 : f32 to vector<16xf32>
      %select_n3A_72 = arith.select %eq3A_67, %broadcast_in_dim3A_70, %broadcast_in_dim3A_71 : vector<16xi1>, vector<16xf32>
      %swap3A_73 = arith.constant 4 : i32
      %swap3A_74 = arith.index_cast %swap3A_73 : i32 to index
      %swap3A_75 = arith.index_cast %add3A_11 : i32 to index
      %swap3A_76 = tpu.vector_load %arg5[%swap3A_74, %swap3A_75] {strides = array<i32>} : memref<16x1024xf32, #tpu.memory_space<vmem>>, vector<1x16xf32>,
      %swap3A_77 = vector.shape_cast %swap3A_76 : vector<1x16xf32> to vector<16xf32>
      %swap3A_78 = vector.shape_cast %select_n3A_72 : vector<16xf32> to vector<1x16xf32>
      tpu.vector_store %arg5[%swap3A_74, %swap3A_75], %swap3A_78 {strides = array<i32>} : memref<16x1024xf32, #tpu.memory_space<vmem>>, vector<1x16xf32>,
      %eq3A_79 = arith.constant 5 : i32
      %eq3A_80 = vector.broadcast %eq3A_79 : i32 to vector<16xi32>
      %eq3A_81 = arith.cmpi eq, %get3A_13, %eq3A_80 : vector<16xi32>
      %jit3A_82 = arith.constant 1.000000e+00 : f32
      %jit3A_83 = arith.constant 0.000000e+00 : f32
      %broadcast_in_dim3A_84 = vector.broadcast %jit3A_82 : f32 to vector<16xf32>
      %broadcast_in_dim3A_85 = vector.broadcast %jit3A_83 : f32 to vector<16xf32>
      %select_n3A_86 = arith.select %eq3A_81, %broadcast_in_dim3A_84, %broadcast_in_dim3A_85 : vector<16xi1>, vector<16xf32>
      %swap3A_87 = arith.constant 5 : i32
      %swap3A_88 = arith.index_cast %swap3A_87 : i32 to index
      %swap3A_89 = arith.index_cast %add3A_11 : i32 to index
      %swap3A_90 = tpu.vector_load %arg5[%swap3A_88, %swap3A_89] {strides = array<i32>} : memref<16x1024xf32, #tpu.memory_space<vmem>>, vector<1x16xf32>,
      %swap3A_91 = vector.shape_cast %swap3A_90 : vector<1x16xf32> to vector<16xf32>
      %swap3A_92 = vector.shape_cast %select_n3A_86 : vector<16xf32> to vector<1x16xf32>
      tpu.vector_store %arg5[%swap3A_88, %swap3A_89], %swap3A_92 {strides = array<i32>} : memref<16x1024xf32, #tpu.memory_space<vmem>>, vector<1x16xf32>,
      %eq3A_93 = arith.constant 6 : i32
      %eq3A_94 = vector.broadcast %eq3A_93 : i32 to vector<16xi32>
      %eq3A_95 = arith.cmpi eq, %get3A_13, %eq3A_94 : vector<16xi32>
      %jit3A_96 = arith.constant 1.000000e+00 : f32
      %jit3A_97 = arith.constant 0.000000e+00 : f32
      %broadcast_in_dim3A_98 = vector.broadcast %jit3A_96 : f32 to vector<16xf32>
      %broadcast_in_dim3A_99 = vector.broadcast %jit3A_97 : f32 to vector<16xf32>
      %select_n3A_100 = arith.select %eq3A_95, %broadcast_in_dim3A_98, %broadcast_in_dim3A_99 : vector<16xi1>, vector<16xf32>
      %swap3A_101 = arith.constant 6 : i32
      %swap3A_102 = arith.index_cast %swap3A_101 : i32 to index
      %swap3A_103 = arith.index_cast %add3A_11 : i32 to index
      %swap3A_104 = tpu.vector_load %arg5[%swap3A_102, %swap3A_103] {strides = array<i32>} : memref<16x1024xf32, #tpu.memory_space<vmem>>, vector<1x16xf32>,
      %swap3A_105 = vector.shape_cast %swap3A_104 : vector<1x16xf32> to vector<16xf32>
      %swap3A_106 = vector.shape_cast %select_n3A_100 : vector<16xf32> to vector<1x16xf32>
      tpu.vector_store %arg5[%swap3A_102, %swap3A_103], %swap3A_106 {strides = array<i32>} : memref<16x1024xf32, #tpu.memory_space<vmem>>, vector<1x16xf32>,
      %eq3A_107 = arith.constant 7 : i32
      %eq3A_108 = vector.broadcast %eq3A_107 : i32 to vector<16xi32>
      %eq3A_109 = arith.cmpi eq, %get3A_13, %eq3A_108 : vector<16xi32>
      %jit3A_110 = arith.constant 1.000000e+00 : f32
      %jit3A_111 = arith.constant 0.000000e+00 : f32
      %broadcast_in_dim3A_112 = vector.broadcast %jit3A_110 : f32 to vector<16xf32>
      %broadcast_in_dim3A_113 = vector.broadcast %jit3A_111 : f32 to vector<16xf32>
      %select_n3A_114 = arith.select %eq3A_109, %broadcast_in_dim3A_112, %broadcast_in_dim3A_113 : vector<16xi1>, vector<16xf32>
      %swap3A_115 = arith.constant 7 : i32
      %swap3A_116 = arith.index_cast %swap3A_115 : i32 to index
      %swap3A_117 = arith.index_cast %add3A_11 : i32 to index
      %swap3A_118 = tpu.vector_load %arg5[%swap3A_116, %swap3A_117] {strides = array<i32>} : memref<16x1024xf32, #tpu.memory_space<vmem>>, vector<1x16xf32>,
      %swap3A_119 = vector.shape_cast %swap3A_118 : vector<1x16xf32> to vector<16xf32>
      %swap3A_120 = vector.shape_cast %select_n3A_114 : vector<16xf32> to vector<1x16xf32>
      tpu.vector_store %arg5[%swap3A_116, %swap3A_117], %swap3A_120 {strides = array<i32>} : memref<16x1024xf32, #tpu.memory_space<vmem>>, vector<1x16xf32>,
      %eq3A_121 = arith.constant 8 : i32
      %eq3A_122 = vector.broadcast %eq3A_121 : i32 to vector<16xi32>
      %eq3A_123 = arith.cmpi eq, %get3A_13, %eq3A_122 : vector<16xi32>
      %jit3A_124 = arith.constant 1.000000e+00 : f32
      %jit3A_125 = arith.constant 0.000000e+00 : f32
      %broadcast_in_dim3A_126 = vector.broadcast %jit3A_124 : f32 to vector<16xf32>
      %broadcast_in_dim3A_127 = vector.broadcast %jit3A_125 : f32 to vector<16xf32>
      %select_n3A_128 = arith.select %eq3A_123, %broadcast_in_dim3A_126, %broadcast_in_dim3A_127 : vector<16xi1>, vector<16xf32>
      %swap3A_129 = arith.constant 8 : i32
      %swap3A_130 = arith.index_cast %swap3A_129 : i32 to index
      %swap3A_131 = arith.index_cast %add3A_11 : i32 to index
      %swap3A_132 = tpu.vector_load %arg5[%swap3A_130, %swap3A_131] {strides = array<i32>} : memref<16x1024xf32, #tpu.memory_space<vmem>>, vector<1x16xf32>,
      %swap3A_133 = vector.shape_cast %swap3A_132 : vector<1x16xf32> to vector<16xf32>
      %swap3A_134 = vector.shape_cast %select_n3A_128 : vector<16xf32> to vector<1x16xf32>
      tpu.vector_store %arg5[%swap3A_130, %swap3A_131], %swap3A_134 {strides = array<i32>} : memref<16x1024xf32, #tpu.memory_space<vmem>>, vector<1x16xf32>,
      %eq3A_135 = arith.constant 9 : i32
      %eq3A_136 = vector.broadcast %eq3A_135 : i32 to vector<16xi32>
      %eq3A_137 = arith.cmpi eq, %get3A_13, %eq3A_136 : vector<16xi32>
      %jit3A_138 = arith.constant 1.000000e+00 : f32
      %jit3A_139 = arith.constant 0.000000e+00 : f32
      %broadcast_in_dim3A_140 = vector.broadcast %jit3A_138 : f32 to vector<16xf32>
      %broadcast_in_dim3A_141 = vector.broadcast %jit3A_139 : f32 to vector<16xf32>
      %select_n3A_142 = arith.select %eq3A_137, %broadcast_in_dim3A_140, %broadcast_in_dim3A_141 : vector<16xi1>, vector<16xf32>
      %swap3A_143 = arith.constant 9 : i32
      %swap3A_144 = arith.index_cast %swap3A_143 : i32 to index
      %swap3A_145 = arith.index_cast %add3A_11 : i32 to index
      %swap3A_146 = tpu.vector_load %arg5[%swap3A_144, %swap3A_145] {strides = array<i32>} : memref<16x1024xf32, #tpu.memory_space<vmem>>, vector<1x16xf32>,
      %swap3A_147 = vector.shape_cast %swap3A_146 : vector<1x16xf32> to vector<16xf32>
      %swap3A_148 = vector.shape_cast %select_n3A_142 : vector<16xf32> to vector<1x16xf32>
      tpu.vector_store %arg5[%swap3A_144, %swap3A_145], %swap3A_148 {strides = array<i32>} : memref<16x1024xf32, #tpu.memory_space<vmem>>, vector<1x16xf32>,
      %eq3A_149 = arith.constant 10 : i32
      %eq3A_150 = vector.broadcast %eq3A_149 : i32 to vector<16xi32>
      %eq3A_151 = arith.cmpi eq, %get3A_13, %eq3A_150 : vector<16xi32>
      %jit3A_152 = arith.constant 1.000000e+00 : f32
      %jit3A_153 = arith.constant 0.000000e+00 : f32
      %broadcast_in_dim3A_154 = vector.broadcast %jit3A_152 : f32 to vector<16xf32>
      %broadcast_in_dim3A_155 = vector.broadcast %jit3A_153 : f32 to vector<16xf32>
      %select_n3A_156 = arith.select %eq3A_151, %broadcast_in_dim3A_154, %broadcast_in_dim3A_155 : vector<16xi1>, vector<16xf32>
      %swap3A_157 = arith.constant 10 : i32
      %swap3A_158 = arith.index_cast %swap3A_157 : i32 to index
      %swap3A_159 = arith.index_cast %add3A_11 : i32 to index
      %swap3A_160 = tpu.vector_load %arg5[%swap3A_158, %swap3A_159] {strides = array<i32>} : memref<16x1024xf32, #tpu.memory_space<vmem>>, vector<1x16xf32>,
      %swap3A_161 = vector.shape_cast %swap3A_160 : vector<1x16xf32> to vector<16xf32>
      %swap3A_162 = vector.shape_cast %select_n3A_156 : vector<16xf32> to vector<1x16xf32>
      tpu.vector_store %arg5[%swap3A_158, %swap3A_159], %swap3A_162 {strides = array<i32>} : memref<16x1024xf32, #tpu.memory_space<vmem>>, vector<1x16xf32>,
      %eq3A_163 = arith.constant 11 : i32
      %eq3A_164 = vector.broadcast %eq3A_163 : i32 to vector<16xi32>
      %eq3A_165 = arith.cmpi eq, %get3A_13, %eq3A_164 : vector<16xi32>
      %jit3A_166 = arith.constant 1.000000e+00 : f32
      %jit3A_167 = arith.constant 0.000000e+00 : f32
      %broadcast_in_dim3A_168 = vector.broadcast %jit3A_166 : f32 to vector<16xf32>
      %broadcast_in_dim3A_169 = vector.broadcast %jit3A_167 : f32 to vector<16xf32>
      %select_n3A_170 = arith.select %eq3A_165, %broadcast_in_dim3A_168, %broadcast_in_dim3A_169 : vector<16xi1>, vector<16xf32>
      %swap3A_171 = arith.constant 11 : i32
      %swap3A_172 = arith.index_cast %swap3A_171 : i32 to index
      %swap3A_173 = arith.index_cast %add3A_11 : i32 to index
      %swap3A_174 = tpu.vector_load %arg5[%swap3A_172, %swap3A_173] {strides = array<i32>} : memref<16x1024xf32, #tpu.memory_space<vmem>>, vector<1x16xf32>,
      %swap3A_175 = vector.shape_cast %swap3A_174 : vector<1x16xf32> to vector<16xf32>
      %swap3A_176 = vector.shape_cast %select_n3A_170 : vector<16xf32> to vector<1x16xf32>
      tpu.vector_store %arg5[%swap3A_172, %swap3A_173], %swap3A_176 {strides = array<i32>} : memref<16x1024xf32, #tpu.memory_space<vmem>>, vector<1x16xf32>,
      %eq3A_177 = arith.constant 12 : i32
      %eq3A_178 = vector.broadcast %eq3A_177 : i32 to vector<16xi32>
      %eq3A_179 = arith.cmpi eq, %get3A_13, %eq3A_178 : vector<16xi32>
      %jit3A_180 = arith.constant 1.000000e+00 : f32
      %jit3A_181 = arith.constant 0.000000e+00 : f32
      %broadcast_in_dim3A_182 = vector.broadcast %jit3A_180 : f32 to vector<16xf32>
      %broadcast_in_dim3A_183 = vector.broadcast %jit3A_181 : f32 to vector<16xf32>
      %select_n3A_184 = arith.select %eq3A_179, %broadcast_in_dim3A_182, %broadcast_in_dim3A_183 : vector<16xi1>, vector<16xf32>
      %swap3A_185 = arith.constant 12 : i32
      %swap3A_186 = arith.index_cast %swap3A_185 : i32 to index
      %swap3A_187 = arith.index_cast %add3A_11 : i32 to index
      %swap3A_188 = tpu.vector_load %arg5[%swap3A_186, %swap3A_187] {strides = array<i32>} : memref<16x1024xf32, #tpu.memory_space<vmem>>, vector<1x16xf32>,
      %swap3A_189 = vector.shape_cast %swap3A_188 : vector<1x16xf32> to vector<16xf32>
      %swap3A_190 = vector.shape_cast %select_n3A_184 : vector<16xf32> to vector<1x16xf32>
      tpu.vector_store %arg5[%swap3A_186, %swap3A_187], %swap3A_190 {strides = array<i32>} : memref<16x1024xf32, #tpu.memory_space<vmem>>, vector<1x16xf32>,
      %eq3A_191 = arith.constant 13 : i32
      %eq3A_192 = vector.broadcast %eq3A_191 : i32 to vector<16xi32>
      %eq3A_193 = arith.cmpi eq, %get3A_13, %eq3A_192 : vector<16xi32>
      %jit3A_194 = arith.constant 1.000000e+00 : f32
      %jit3A_195 = arith.constant 0.000000e+00 : f32
      %broadcast_in_dim3A_196 = vector.broadcast %jit3A_194 : f32 to vector<16xf32>
      %broadcast_in_dim3A_197 = vector.broadcast %jit3A_195 : f32 to vector<16xf32>
      %select_n3A_198 = arith.select %eq3A_193, %broadcast_in_dim3A_196, %broadcast_in_dim3A_197 : vector<16xi1>, vector<16xf32>
      %swap3A_199 = arith.constant 13 : i32
      %swap3A_200 = arith.index_cast %swap3A_199 : i32 to index
      %swap3A_201 = arith.index_cast %add3A_11 : i32 to index
      %swap3A_202 = tpu.vector_load %arg5[%swap3A_200, %swap3A_201] {strides = array<i32>} : memref<16x1024xf32, #tpu.memory_space<vmem>>, vector<1x16xf32>,
      %swap3A_203 = vector.shape_cast %swap3A_202 : vector<1x16xf32> to vector<16xf32>
      %swap3A_204 = vector.shape_cast %select_n3A_198 : vector<16xf32> to vector<1x16xf32>
      tpu.vector_store %arg5[%swap3A_200, %swap3A_201], %swap3A_204 {strides = array<i32>} : memref<16x1024xf32, #tpu.memory_space<vmem>>, vector<1x16xf32>,
      %eq3A_205 = arith.constant 14 : i32
      %eq3A_206 = vector.broadcast %eq3A_205 : i32 to vector<16xi32>
      %eq3A_207 = arith.cmpi eq, %get3A_13, %eq3A_206 : vector<16xi32>
      %jit3A_208 = arith.constant 1.000000e+00 : f32
      %jit3A_209 = arith.constant 0.000000e+00 : f32
      %broadcast_in_dim3A_210 = vector.broadcast %jit3A_208 : f32 to vector<16xf32>
      %broadcast_in_dim3A_211 = vector.broadcast %jit3A_209 : f32 to vector<16xf32>
      %select_n3A_212 = arith.select %eq3A_207, %broadcast_in_dim3A_210, %broadcast_in_dim3A_211 : vector<16xi1>, vector<16xf32>
      %swap3A_213 = arith.constant 14 : i32
      %swap3A_214 = arith.index_cast %swap3A_213 : i32 to index
      %swap3A_215 = arith.index_cast %add3A_11 : i32 to index
      %swap3A_216 = tpu.vector_load %arg5[%swap3A_214, %swap3A_215] {strides = array<i32>} : memref<16x1024xf32, #tpu.memory_space<vmem>>, vector<1x16xf32>,
      %swap3A_217 = vector.shape_cast %swap3A_216 : vector<1x16xf32> to vector<16xf32>
      %swap3A_218 = vector.shape_cast %select_n3A_212 : vector<16xf32> to vector<1x16xf32>
      tpu.vector_store %arg5[%swap3A_214, %swap3A_215], %swap3A_218 {strides = array<i32>} : memref<16x1024xf32, #tpu.memory_space<vmem>>, vector<1x16xf32>,
      %eq3A_219 = arith.constant 15 : i32
      %eq3A_220 = vector.broadcast %eq3A_219 : i32 to vector<16xi32>
      %eq3A_221 = arith.cmpi eq, %get3A_13, %eq3A_220 : vector<16xi32>
      %jit3A_222 = arith.constant 1.000000e+00 : f32
      %jit3A_223 = arith.constant 0.000000e+00 : f32
      %broadcast_in_dim3A_224 = vector.broadcast %jit3A_222 : f32 to vector<16xf32>
      %broadcast_in_dim3A_225 = vector.broadcast %jit3A_223 : f32 to vector<16xf32>
      %select_n3A_226 = arith.select %eq3A_221, %broadcast_in_dim3A_224, %broadcast_in_dim3A_225 : vector<16xi1>, vector<16xf32>
      %swap3A_227 = arith.constant 15 : i32
      %swap3A_228 = arith.index_cast %swap3A_227 : i32 to index
      %swap3A_229 = arith.index_cast %add3A_11 : i32 to index
      %swap3A_230 = tpu.vector_load %arg5[%swap3A_228, %swap3A_229] {strides = array<i32>} : memref<16x1024xf32, #tpu.memory_space<vmem>>, vector<1x16xf32>,
      %swap3A_231 = vector.shape_cast %swap3A_230 : vector<1x16xf32> to vector<16xf32>
      %swap3A_232 = vector.shape_cast %select_n3A_226 : vector<16xf32> to vector<1x16xf32>
      tpu.vector_store %arg5[%swap3A_228, %swap3A_229], %swap3A_232 {strides = array<i32>} : memref<16x1024xf32, #tpu.memory_space<vmem>>, vector<1x16xf32>,
    }
    %scan3A_6 = arith.constant 64 : i32
    "tpu.region"() ({
      %run_scoped3A = tpu.sem_alloc : memref<!tpu.dma_semaphore, #tpu.memory_space<semaphore_mem>>
      %dma_start3A = arith.constant 0 : i32
      %dma_start3A_7 = tpu.memref_slice %arg3[%dma_start3A, %mul3A_2] : memref<16x32768xf32, #tpu.memory_space<hbm>> -> memref<16x1024xf32, #tpu.memory_space<hbm>>
      %dma_start3A_8 = arith.constant 0 : i32
      %dma_start3A_9 = tpu.memref_slice %arg3[%dma_start3A_8, %mul3A_2] : memref<16x32768xf32, #tpu.memory_space<hbm>> -> memref<16x1024xf32, #tpu.memory_space<hbm>>
      tpu.enqueue_dma source(%arg5 : memref<16x1024xf32, #tpu.memory_space<vmem>>) target(%dma_start3A_9 : memref<16x1024xf32, #tpu.memory_space<hbm>>) target_semaphore(%run_scoped3A : memref<!tpu.dma_semaphore, #tpu.memory_space<semaphore_mem>>)
      %dma_wait3A = arith.constant 0 : i32
      %dma_wait3A_10 = tpu.memref_slice %arg3[%dma_wait3A, %mul3A_2] : memref<16x32768xf32, #tpu.memory_space<hbm>> -> memref<16x1024xf32, #tpu.memory_space<hbm>>
      %dma_wait3A_11 = arith.constant 0 : i32
      %dma_wait3A_12 = tpu.memref_slice %arg3[%dma_wait3A_11, %mul3A_2] : memref<16x32768xf32, #tpu.memory_space<hbm>> -> memref<16x1024xf32, #tpu.memory_space<hbm>>
      tpu.wait_dma2 semaphore(%run_scoped3A : memref<!tpu.dma_semaphore, #tpu.memory_space<semaphore_mem>>) src(%arg5 : memref<16x1024xf32, #tpu.memory_space<vmem>>) dst(%dma_wait3A_12 : memref<16x1024xf32, #tpu.memory_space<hbm>>)
      tpu.yield
    }) : () -> ()
    return
  }
}

module attributes {stable_mosaic.version = 14 : i64} {
  func.func @_tc_body(%arg0: i32, %arg1: memref<8192x256xf32, #tpu.memory_space<vmem>>, %arg2: memref<16x8192xf32, #tpu.memory_space<vmem>>, %arg3: memref<128x256xbf16, #tpu.memory_space<vmem>>, %arg4: memref<16x256xf32, #tpu.memory_space<vmem>>, %arg5: memref<1x128xf32, #tpu.memory_space<vmem>>, %arg6: memref<128x256xf32, #tpu.memory_space<vmem>>) attributes {dimension_semantics = [#tpu.dimension_semantics<arbitrary>], iteration_bounds = array<i64: 4>, scalar_prefetch = 0 : i64, scratch_operands = 2 : i64, tpu.core_type = #tpu.core_type<tc>, window_params = [{transform_indices = @transform_0, window_bounds = array<i64: 8192, 256>}, {transform_indices = @transform_1, window_bounds = array<i64: 16, 8192>}, {pipeline_mode = #tpu.pipeline_mode<synchronous>, transform_indices = @transform_2, window_bounds = array<i64: 128, 256>}, {pipeline_mode = #tpu.pipeline_mode<synchronous>, transform_indices = @transform_3, window_bounds = array<i64: 16, 256>}]} {
    %eq3A = arith.constant 0 : i32
    %eq3A_0 = arith.cmpi eq, %arg0, %eq3A : i32
    %convert_element_type3A = arith.extui %eq3A_0 : i1 to i32
    %cond3A = arith.constant 0 : i32
    %cond3A_1 = arith.cmpi ne, %convert_element_type3A, %cond3A : i32
    scf.if %cond3A_1 {
      %broadcast_in_dim3A_68 = arith.constant 0.000000e+00 : f32
      %broadcast_in_dim3A_69 = vector.broadcast %broadcast_in_dim3A_68 : f32 to vector<1x128xf32>
      %swap3A_70 = arith.constant 0 : index
      %swap3A_71 = arith.constant 0 : index
      %swap3A_72 = vector.load %arg5[%swap3A_70, %swap3A_71] : memref<1x128xf32, #tpu.memory_space<vmem>>, vector<1x128xf32>
      tpu.vector_store %arg5[%swap3A_70, %swap3A_71], %broadcast_in_dim3A_69 {strides = array<i32>} : memref<1x128xf32, #tpu.memory_space<vmem>>, vector<1x128xf32>,
      %broadcast_in_dim3A_73 = arith.constant 0.000000e+00 : f32
      %broadcast_in_dim3A_74 = vector.broadcast %broadcast_in_dim3A_73 : f32 to vector<128x256xf32>
      %swap3A_75 = arith.constant 0 : index
      %swap3A_76 = arith.constant 0 : index
      %swap3A_77 = vector.load %arg6[%swap3A_75, %swap3A_76] : memref<128x256xf32, #tpu.memory_space<vmem>>, vector<128x256xf32>
      tpu.vector_store %arg6[%swap3A_75, %swap3A_76], %broadcast_in_dim3A_74 {strides = array<i32>} : memref<128x256xf32, #tpu.memory_space<vmem>>, vector<128x256xf32>,
    } else {
    }
    %get3A = arith.constant 0 : index
    %get3A_2 = arith.constant 0 : index
    %get3A_3 = vector.load %arg1[%get3A, %get3A_2] : memref<8192x256xf32, #tpu.memory_space<vmem>>, vector<8192x256xf32>
    %convert_element_type3A_4 = arith.truncf %get3A_3 : vector<8192x256xf32> to vector<8192x256xbf16>
    %get3A_5 = arith.constant 0 : index
    %get3A_6 = arith.constant 0 : index
    %get3A_7 = vector.load %arg2[%get3A_5, %get3A_6] : memref<16x8192xf32, #tpu.memory_space<vmem>>, vector<16x8192xf32>
    %convert_element_type3A_8 = arith.truncf %get3A_7 : vector<16x8192xf32> to vector<16x8192xbf16>
    %get3A_9 = arith.constant 0 : index
    %get3A_10 = arith.constant 0 : index
    %get3A_11 = vector.load %arg3[%get3A_9, %get3A_10] : memref<128x256xbf16, #tpu.memory_space<vmem>>, vector<128x256xbf16>
    %dot_general3A = arith.constant dense<0.000000e+00> : vector<8192x128xf32>
    %dot_general3A_12 = tpu.matmul %convert_element_type3A_4, %get3A_11, %dot_general3A {dimension_numbers = #tpu.dot_dimension_numbers<[1], [1], [0], [0], [0, 0, 1, 0], [], []>, transpose_lhs_hint = false} : vector<8192x256xbf16>, vector<128x256xbf16>, vector<8192x128xf32> -> vector<8192x128xf32>
    %iota3A = tpu.iota {dimensions = array<i32: 0>} : vector<16x128xi32>
    %iota3A_13 = tpu.iota {dimensions = array<i32: 1>} : vector<16x128xi32>
    %jit3A = arith.constant 8 : i32
    %div3A = vector.broadcast %jit3A : i32 to vector<16x128xi32>
    %div3A_14 = arith.divsi %iota3A_13, %div3A : vector<16x128xi32>
    %sign3A = arith.constant 0 : i32
    %sign3A_15 = vector.broadcast %sign3A : i32 to vector<16x128xi32>
    %sign3A_16 = arith.cmpi sgt, %iota3A_13, %sign3A_15 : vector<16x128xi32>
    %sign3A_17 = arith.extui %sign3A_16 : vector<16x128xi1> to vector<16x128xi32>
    %sign3A_18 = arith.constant 0 : i32
    %sign3A_19 = vector.broadcast %sign3A_18 : i32 to vector<16x128xi32>
    %sign3A_20 = arith.cmpi slt, %iota3A_13, %sign3A_19 : vector<16x128xi32>
    %sign3A_21 = arith.extui %sign3A_20 : vector<16x128xi1> to vector<16x128xi32>
    %sign3A_22 = arith.subi %sign3A_17, %sign3A_21 : vector<16x128xi32>
    %sign3A_23 = arith.constant 0 : i32
    %sign3A_24 = arith.cmpi sgt, %jit3A, %sign3A_23 : i32
    %sign3A_25 = arith.extui %sign3A_24 : i1 to i32
    %sign3A_26 = arith.constant 0 : i32
    %sign3A_27 = arith.cmpi slt, %jit3A, %sign3A_26 : i32
    %sign3A_28 = arith.extui %sign3A_27 : i1 to i32
    %sign3A_29 = arith.subi %sign3A_25, %sign3A_28 : i32
    %ne3A = vector.broadcast %sign3A_29 : i32 to vector<16x128xi32>
    %ne3A_30 = arith.cmpi ne, %sign3A_22, %ne3A : vector<16x128xi32>
    %rem3A = vector.broadcast %jit3A : i32 to vector<16x128xi32>
    %rem3A_31 = arith.remsi %iota3A_13, %rem3A : vector<16x128xi32>
    %ne3A_32 = arith.constant 0 : i32
    %ne3A_33 = vector.broadcast %ne3A_32 : i32 to vector<16x128xi32>
    %ne3A_34 = arith.cmpi ne, %rem3A_31, %ne3A_33 : vector<16x128xi32>
    %and3A = arith.andi %ne3A_30, %ne3A_34 : vector<16x128xi1>
    %sub3A = arith.constant 1 : i32
    %sub3A_35 = vector.broadcast %sub3A : i32 to vector<16x128xi32>
    %sub3A_36 = arith.subi %div3A_14, %sub3A_35 : vector<16x128xi32>
    %select_n3A = arith.select %and3A, %sub3A_36, %div3A_14 : vector<16x128xi1>, vector<16x128xi32>
    %eq3A_37 = arith.cmpi eq, %iota3A, %select_n3A : vector<16x128xi32>
    %jit3A_38 = arith.constant 0.000000e+00 : f32
    %jit3A_39 = arith.constant -4.915200e+04 : f32
    %broadcast_in_dim3A = vector.broadcast %jit3A_38 : f32 to vector<16x128xf32>
    %broadcast_in_dim3A_40 = vector.broadcast %jit3A_39 : f32 to vector<16x128xf32>
    %select_n3A_41 = arith.select %eq3A_37, %broadcast_in_dim3A, %broadcast_in_dim3A_40 : vector<16x128xi1>, vector<16x128xf32>
    %convert_element_type3A_42 = arith.truncf %select_n3A_41 : vector<16x128xf32> to vector<16x128xbf16>
    %dot_general3A_43 = arith.constant dense<0.000000e+00> : vector<8192x128xf32>
    %dot_general3A_44 = tpu.matmul %convert_element_type3A_8, %convert_element_type3A_42, %dot_general3A_43 {dimension_numbers = #tpu.dot_dimension_numbers<[0], [0], [1], [1], [0, 1, 1, 1], [], []>, transpose_lhs_hint = false} : vector<16x8192xbf16>, vector<16x128xbf16>, vector<8192x128xf32> -> vector<8192x128xf32>
    %add3A = arith.addf %dot_general3A_12, %dot_general3A_44 : vector<8192x128xf32>
    %exp23A = math.exp2 %add3A : vector<8192x128xf32>
    %get3A_45 = arith.constant 0 : index
    %get3A_46 = arith.constant 0 : index
    %get3A_47 = vector.load %arg5[%get3A_45, %get3A_46] : memref<1x128xf32, #tpu.memory_space<vmem>>, vector<1x128xf32>
    %reduce_sum3A = arith.constant dense<0.000000e+00> : vector<128xf32>
    %reduce_sum3A_48 = vector.multi_reduction <add>, %exp23A, %reduce_sum3A [0] : vector<8192x128xf32> to vector<128xf32>
    %broadcast_in_dim3A_49 = vector.shape_cast %reduce_sum3A_48 : vector<128xf32> to vector<1x128xf32>
    %add3A_50 = arith.addf %get3A_47, %broadcast_in_dim3A_49 : vector<1x128xf32>
    %swap3A = arith.constant 0 : index
    %swap3A_51 = arith.constant 0 : index
    %swap3A_52 = vector.load %arg5[%swap3A, %swap3A_51] : memref<1x128xf32, #tpu.memory_space<vmem>>, vector<1x128xf32>
    tpu.vector_store %arg5[%swap3A, %swap3A_51], %add3A_50 {strides = array<i32>} : memref<1x128xf32, #tpu.memory_space<vmem>>, vector<1x128xf32>,
    %get3A_53 = arith.constant 0 : index
    %get3A_54 = arith.constant 0 : index
    %get3A_55 = vector.load %arg6[%get3A_53, %get3A_54] : memref<128x256xf32, #tpu.memory_space<vmem>>, vector<128x256xf32>
    %convert_element_type3A_56 = arith.truncf %exp23A : vector<8192x128xf32> to vector<8192x128xbf16>
    %dot_general3A_57 = arith.constant dense<0.000000e+00> : vector<128x256xf32>
    %dot_general3A_58 = tpu.matmul %convert_element_type3A_56, %convert_element_type3A_4, %dot_general3A_57 {dimension_numbers = #tpu.dot_dimension_numbers<[0], [0], [1], [1], [0, 1, 1, 1], [], []>, transpose_lhs_hint = false} : vector<8192x128xbf16>, vector<8192x256xbf16>, vector<128x256xf32> -> vector<128x256xf32>
    %add3A_59 = arith.addf %get3A_55, %dot_general3A_58 : vector<128x256xf32>
    %swap3A_60 = arith.constant 0 : index
    %swap3A_61 = arith.constant 0 : index
    %swap3A_62 = vector.load %arg6[%swap3A_60, %swap3A_61] : memref<128x256xf32, #tpu.memory_space<vmem>>, vector<128x256xf32>
    tpu.vector_store %arg6[%swap3A_60, %swap3A_61], %add3A_59 {strides = array<i32>} : memref<128x256xf32, #tpu.memory_space<vmem>>, vector<128x256xf32>,
    %eq3A_63 = arith.constant 3 : i32
    %eq3A_64 = arith.cmpi eq, %arg0, %eq3A_63 : i32
    %convert_element_type3A_65 = arith.extui %eq3A_64 : i1 to i32
    %cond3A_66 = arith.constant 0 : i32
    %cond3A_67 = arith.cmpi ne, %convert_element_type3A_65, %cond3A_66 : i32
    scf.if %cond3A_67 {
      %get3A_68 = arith.constant 0 : index
      %get3A_69 = arith.constant 0 : index
      %get3A_70 = vector.load %arg5[%get3A_68, %get3A_69] : memref<1x128xf32, #tpu.memory_space<vmem>>, vector<1x128xf32>
      %eq3A_71 = arith.constant 0.000000e+00 : f32
      %eq3A_72 = vector.broadcast %eq3A_71 : f32 to vector<1x128xf32>
      %eq3A_73 = arith.cmpf oeq, %get3A_70, %eq3A_72 : vector<1x128xf32>
      %eq3A_74 = arith.constant 0.000000e+00 : f32
      %eq3A_75 = vector.broadcast %eq3A_74 : f32 to vector<1x128xf32>
      %eq3A_76 = arith.cmpf oeq, %get3A_70, %eq3A_75 : vector<1x128xf32>
      %jit3A_77 = arith.constant 1.000000e+00 : f32
      %broadcast_in_dim3A_78 = vector.broadcast %jit3A_77 : f32 to vector<1x128xf32>
      %select_n3A_79 = arith.select %eq3A_76, %broadcast_in_dim3A_78, %get3A_70 : vector<1x128xi1>, vector<1x128xf32>
      %div3A_80 = arith.constant 1.000000e+00 : f32
      %div3A_81 = vector.broadcast %div3A_80 : f32 to vector<1x128xf32>
      %div3A_82 = arith.divf %div3A_81, %select_n3A_79 : vector<1x128xf32>
      %jit3A_83 = arith.constant 0.000000e+00 : f32
      %broadcast_in_dim3A_84 = vector.broadcast %jit3A_83 : f32 to vector<1x128xf32>
      %select_n3A_85 = arith.select %eq3A_73, %broadcast_in_dim3A_84, %div3A_82 : vector<1x128xi1>, vector<1x128xf32>
      %get3A_86 = arith.constant 0 : index
      %get3A_87 = arith.constant 0 : index
      %get3A_88 = vector.load %arg6[%get3A_86, %get3A_87] : memref<128x256xf32, #tpu.memory_space<vmem>>, vector<128x256xf32>
      %transpose3A = tpu.transpose %select_n3A_85, [1, 0] : vector<1x128xf32> -> vector<128x1xf32>
      %mul3A = vector.broadcast %transpose3A : vector<128x1xf32> to vector<128x256xf32>
      %mul3A_89 = arith.mulf %get3A_88, %mul3A : vector<128x256xf32>
      %eq3A_90 = arith.cmpi eq, %iota3A, %select_n3A : vector<16x128xi32>
      %jit3A_91 = arith.constant 1.250000e-01 : f32
      %jit3A_92 = arith.constant 0.000000e+00 : f32
      %broadcast_in_dim3A_93 = vector.broadcast %jit3A_91 : f32 to vector<16x128xf32>
      %broadcast_in_dim3A_94 = vector.broadcast %jit3A_92 : f32 to vector<16x128xf32>
      %select_n3A_95 = arith.select %eq3A_90, %broadcast_in_dim3A_93, %broadcast_in_dim3A_94 : vector<16x128xi1>, vector<16x128xf32>
      %dot_general3A_96 = arith.constant dense<0.000000e+00> : vector<16x256xf32>
      %dot_general3A_97 = tpu.matmul %select_n3A_95, %mul3A_89, %dot_general3A_96 {dimension_numbers = #tpu.dot_dimension_numbers<[1], [0], [0], [1], [0, 0, 1, 1], [], []>, transpose_lhs_hint = false} : vector<16x128xf32>, vector<128x256xf32>, vector<16x256xf32> -> vector<16x256xf32>
      %swap3A_98 = arith.constant 0 : index
      %swap3A_99 = arith.constant 0 : index
      %swap3A_100 = vector.load %arg4[%swap3A_98, %swap3A_99] : memref<16x256xf32, #tpu.memory_space<vmem>>, vector<16x256xf32>
      tpu.vector_store %arg4[%swap3A_98, %swap3A_99], %dot_general3A_97 {strides = array<i32>} : memref<16x256xf32, #tpu.memory_space<vmem>>, vector<16x256xf32>,
    } else {
    }
    return
  }
  func.func @transform_0(%arg0: i32) -> (i32, i32) {
    %c0_i32 = arith.constant 0 : i32
    %c0_i32_0 = arith.constant 0 : i32
    return %arg0, %c0_i32 : i32, i32
  }
  func.func @transform_1(%arg0: i32) -> (i32, i32) {
    %c0_i32 = arith.constant 0 : i32
    %c0_i32_0 = arith.constant 0 : i32
    return %c0_i32, %arg0 : i32, i32
  }
  func.func @transform_2(%arg0: i32) -> (i32, i32) {
    %c0_i32 = arith.constant 0 : i32
    %c0_i32_0 = arith.constant 0 : i32
    %c0_i32_1 = arith.constant 0 : i32
    return %c0_i32, %c0_i32_0 : i32, i32
  }
  func.func @transform_3(%arg0: i32) -> (i32, i32) {
    %c0_i32 = arith.constant 0 : i32
    %c0_i32_0 = arith.constant 0 : i32
    %c0_i32_1 = arith.constant 0 : i32
    return %c0_i32, %c0_i32_0 : i32, i32
  }
}

</mosaic_0001>

<sc_bundles>
// kernel: kernel.4.cloned.1.call-start
scs
__scs_entry_jumppad:
0x0: {  	(pc) =	sbr.rel $0x88, $3  }
0x1: {  	(tag) =	ssettag $0x0;
	lr =	simm.s32 $0x1  }
0x2: {  	[smem:$0x3F9E] =	sst lr;
	_ =	strace $0xD0000000  }
0x3: {  	_ = 	snop  }
0x4: {  	_ = 	snop  }
0x5: {  	_ = 	snop  }
0x6: {  	_ = 	snop  }
0x7: {  	_ = 	snop  }
__scs_overlays_trampoline_lowered:
0x8: {  	[smem:$0x3FAD] =	sst s0  }
0x9: {  	[smem:$0x3FAE] =	sst s1  }
0xa: {  	[smem:$0x3FAF] =	sst s2  }
0xb: {  	[smem:$0x3FB0] =	sst s3  }
0xc: {  	[smem:$0x3FB1] =	sst s4  }
0xd: {  	[smem:$0x3FB2] =	sst s5  }
0xe: {  	[smem:$0x3FB3] =	sst s6  }
0xf: {  	[smem:$0x3FB4] =	sst s7  }
0x10: {  	[smem:$0x3FB5] =	sst s8  }
0x11: {  	[smem:$0x3FB6] =	sst s9;
	s0 =	simm.s32 @!p0 $0x0  }
0x12: {  	s1 =	sld [smem:$0x3F9C];
	s0 =	simm.s32 @p0 $0x1  }
0x13: {  	[smem:$0x3FB7] =	sst s0;
	s0 =	simm.s32 @!p1 $0x0  }
0x14: {  	s2 =	sld [smem:$0x3F9B];
	s0 =	simm.s32 @p1 $0x1  }
0x15: {  	[smem:$0x3FB8] =	sst s0;
	s0 =	simm.s32 @!p2 $0x0  }
0x16: {  	s3 =	sld [smem:$0x3FDB];
	s0 =	simm.s32 @p2 $0x1  }
0x17: {  	s4 =	simm.s32 $0x1BF5;
	[smem:$0x3FBA] =	sst s0  }
0x18: {  	s0 =	sld [smem:$0x3F9D];
	_ =	swait.ge [sflag:s4], $0x0  }
0x19: {  	s7 =	sld [smem:$0x3F9E]  }
0x1a: {  	s8 =	sadd.s32 $0xFFFFE003, lr  }
0x1b: {  	s9 =	sadd.s32 $0xFFFFFEF7, lr;
	s5 =	simm.s32 $0xFFFFFFFF;
	p2 =	slt.u32 s8, $0xFFFFF086  }
0x1c: {  	p1 =	slt.u32 s9, $0xF7A;
	s5 =	simm.s32 @!p2 $0x0  }
0x1d: {  	s5 =	simm.s32 @p1 $0x1;
	p0 =	seq.s32 s7, s2  }
0x1e: {  	s7 =	smul.u32 @!p0 $0xF7A, s2;
	p2 =	seq.s32 @!p0 s5, $0x0  }
0x1f: {  	s9 =	smul.u32 $0xF7A, s1;
	s8 =	simm.s32 @!p0 $0x1BF5;
	p2 =	por !p2, p0  }
0x20: {  	[sflag:s8] =	ssyncset.s32 @!p0 $0xFFFFF086;
	s6 =	sadd.s32 @!p0 s3, s7;
	s7 =	simm.s32 @!p0 $0x108  }
0x21: {  	s3 =	sadd.s32 s3, s9;
	s6 =	sadd.s32 @!p0 $0x88, s6;
	s7 =	simm.s32 @p2 $0x1082  }
0x22: {  	[simem:s7], [sflag:s8] =	dma.local @!p0 [hbm:s6], $0xF7A  }
0x23: {  	s9 =	sor.u32 $0xD0000000, s2;
	s6 =	simm.s32 $0x108;
	_ =	swait.ge @!p0 [sflag:s8], $0x0  }
0x24: {  	s3 =	sadd.s32 $0x88, s3;
	s6 =	simm.s32 @!p1 $0x1082;
	[sflag:s4] =	ssyncset.s32 $0xFFFFF086  }
0x25: {  	[simem:s6], [sflag:s4] =	dma.local [hbm:s3], $0xF7A  }
0x26: {  	[smem:$0x3F9E] =	sst s1;
	(tag) =	ssettag s2;
	_ =	strace s9  }
0x27: {  	s1 =	sld [smem:$0x3FAE]  }
0x28: {  	s2 =	sld [smem:$0x3FAF]  }
0x29: {  	s4 =	sld [smem:$0x3FB1]  }
0x2a: {  	p0 =	seq.s32 s5, $0x0;
	s5 =	sld [smem:$0x3FB2]  }
0x2b: {  	s6 =	sld [smem:$0x3FB3]  }
0x2c: {  	s7 =	sld [smem:$0x3FB4]  }
0x2d: {  	s3 =	simm.s32 $0x108;
	s8 =	sld [smem:$0x3FB5]  }
0x2e: {  	s3 =	simm.s32 @!p0 $0x1082;
	s9 =	sld [smem:$0x3FB6]  }
0x2f: {  	lr =	sadd.s32 s0, s3;
	s0 =	sld [smem:$0x3FAD]  }
0x30: {  	s3 =	sld [smem:$0x3FB0]  }
0x31: {  	[smem:$0x3FB9] =	sst s10  }
0x32: {  	s10 =	sld [smem:$0x3FB7];
	_ =	sdelay $0x3  }
0x33: {  	p0 =	seq.s32 s10, $0x1;
	s10 =	sld [smem:$0x3FB9];
	_ =	sdelay $0x3  }
0x34: {  	[smem:$0x3FB9] =	sst s10  }
0x35: {  	s10 =	sld [smem:$0x3FB8];
	_ =	sdelay $0x3  }
0x36: {  	p1 =	seq.s32 s10, $0x1;
	s10 =	sld [smem:$0x3FB9];
	_ =	sdelay $0x3  }
0x37: {  	[smem:$0x3FB9] =	sst s10  }
0x38: {  	s10 =	sld [smem:$0x3FBA]  }
0x39: {  	_ = 	snop;
	(pc) =	sbr.ind lr, $3  }
0x3a: {  	_ = 	snop  }
0x3b: {  	_ = 	snop  }
0x3c: {  	p2 =	seq.s32 s10, $0x1;
	s10 =	sld [smem:$0x3FB9]  }
0x3d: {  	_ =	shalt  }
0x3e: {  	_ =	shalt  }
0x3f: {  	_ =	shalt  }
0x40: {  	_ =	shalt  }
0x41: {  	_ =	shalt  }
0x42: {  	_ =	shalt  }
0x43: {  	_ =	shalt  }
0x44: {  	_ =	shalt  }
0x45: {  	_ =	shalt  }
0x46: {  	_ =	shalt  }
0x47: {  	_ =	shalt  }
0x48: {  	_ =	shalt  }
0x49: {  	_ =	shalt  }
0x4a: {  	_ =	shalt  }
0x4b: {  	_ =	shalt  }
0x4c: {  	_ =	shalt  }
0x4d: {  	_ =	shalt  }
0x4e: {  	_ =	shalt  }
0x4f: {  	_ =	shalt  }
0x50: {  	_ =	shalt  }
0x51: {  	_ =	shalt  }
0x52: {  	_ =	shalt  }
0x53: {  	_ =	shalt  }
0x54: {  	_ =	shalt  }
0x55: {  	_ =	shalt  }
0x56: {  	_ =	shalt  }
0x57: {  	_ =	shalt  }
0x58: {  	_ =	shalt  }
0x59: {  	_ =	shalt  }
0x5a: {  	_ =	shalt  }
0x5b: {  	_ =	shalt  }
0x5c: {  	_ =	shalt  }
0x5d: {  	_ =	shalt  }
0x5e: {  	_ =	shalt  }
0x5f: {  	_ =	shalt  }
0x60: {  	_ =	shalt  }
0x61: {  	_ =	shalt  }
0x62: {  	_ =	shalt  }
0x63: {  	_ =	shalt  }
0x64: {  	_ =	shalt  }
0x65: {  	_ =	shalt  }
0x66: {  	_ =	shalt  }
0x67: {  	_ =	shalt  }
0x68: {  	_ =	shalt  }
0x69: {  	_ =	shalt  }
0x6a: {  	_ =	shalt  }
0x6b: {  	_ =	shalt  }
0x6c: {  	_ =	shalt  }
0x6d: {  	_ =	shalt  }
0x6e: {  	_ =	shalt  }
0x6f: {  	_ =	shalt  }
0x70: {  	_ =	shalt  }
0x71: {  	_ =	shalt  }
0x72: {  	_ =	shalt  }
0x73: {  	_ =	shalt  }
0x74: {  	_ =	shalt  }
0x75: {  	_ =	shalt  }
0x76: {  	_ =	shalt  }
0x77: {  	_ =	shalt  }
0x78: {  	_ =	shalt  }
0x79: {  	_ =	shalt  }
0x7a: {  	_ =	shalt  }
0x7b: {  	_ =	shalt  }
0x7c: {  	_ =	shalt  }
0x7d: {  	_ =	shalt  }
0x7e: {  	_ =	shalt  }
0x7f: {  	_ =	shalt  }
0x80: {  	_ =	shalt  }
0x81: {  	_ =	shalt  }
0x82: {  	_ =	shalt  }
0x83: {  	_ =	shalt  }
0x84: {  	_ =	shalt  }
0x85: {  	_ =	shalt  }
0x86: {  	_ =	shalt  }
0x87: {  	_ =	shalt  }
.Lfunc_end0:
.L_simem_size_0:
called_computation_lowered:
.L_overlay_start_0:
0x88: {  	s2 =	sld [smem:$0x3FD9]  }
0x89: {  	s3 =	sld [smem:$0x3FFE];
	_ =	sdelay $0x1  }
0x8a: {  	s1 =	srdreg.scid  }
0x8b: {  	s0 =	sand.u32 $0x1, s1  }
0x8c: {  	s17 =	sshll.u32 s0, $0xA;
	s2 =	sadd.s32 s3, s2  }
0x8d: {  	s2 =	sadd.s32 s2, s17  }
0x8e: {  	[smem:$0x3FC5] =	sst s2  }
0x8f: {  	_ = 	snop  }
0x90: {  	s2 =	sld [smem:$0x3FC8];
	(tm) =	ssettm $0x1  }
0x91: {  	s18 =	sld [smem:$0x3FFB];
	_ =	sdelay $0x3  }
0x92: {  	_ =	strace s18  }
0x93: {  	s3 =	sld [smem:$0x3FFC];
	_ =	sdelay $0x3  }
0x94: {  	_ =	strace s3  }
0x95: {  	s3 =	sld [smem:$0x3FFD];
	_ =	sdelay $0x3  }
0x96: {  	_ =	strace s3  }
0x97: {  	_ =	strace $0x8FFFFFFF  }
0x98: {  	s19 =	sld [smem:$0x3FDB];
	_ =	sdelay $0x1  }
0x99: {  	s4 =	simm.s32 $_scs_section_size  }
0x9a: {  	s5 =	simm.s32 $_size__tile_overlayer_lowered;
	s6 =	simm.s32 $_tile_overlayer_lowered  }
0x9b: {  	s22 =	simm.s32 $0x1BFF;
	s21 =	sshll.u32 s6, $0x1;
	s3 =	sadd.s32 s4, s19  }
0x9c: {  	s7 =	simm.s32 $0x0;
	s20 =	sshll.u32 s5, $0x1;
	s5 =	sadd.s32 s21, s3  }
0x9d: {  	[timem:s7], [sflag:s22] =	dma.local [hbm:s5], s20  }
0x9e: {  	_ =	swait.ge [sflag:s22], s20  }
0x9f: {  	s4 =	ssub.s32 $0x0, s20;
	[sflag:s22] =	ssyncset.done $0x0  }
0xa0: {  	[sflag:s22] =	ssyncadd.s32 s4;
	_ =	sdelay $0x1  }
0xa1: {  	s23 =	simm.s32 $0x1B8B  }
0xa2: {  	_ =	swait.ge [sflag:s23], $0x1  }
0xa3: {  	[sflag:s23] =	ssyncset.done $0x0  }
0xa4: {  	s25 =	simm.s32 $0x1B8E;
	s24 =	sld [smem:$0x3FFE];
	[sflag:s23] =	ssyncadd.s32 $0xFFFFFFFF  }
0xa5: {  	s26 =	simm.s32 $execute0_lowered;
	[smem:$0x3FD2] =	sst s25  }
0xa6: {  	s5 =	sshll.u32 s26, $0x1;
	_ =	strace $0x80000046;
	[dreg:$0x1] =	wrdreg $0xFFFFFFFF  }
0xa7: {  	s28 =	simm.s32 $_size_execute0_lowered;
	s3 =	sadd.s32 s3, s5;
	[dreg:$0x0] =	wrdreg $0x0  }
0xa8: {  	s5 =	sshll.u32 s28, $0x1;
	[dreg:$0x2] =	wrdreg s3  }
0xa9: {  	[dreg:$0x3] =	wrdreg s5  }
0xaa: {  	[dreg:$0x4] =	wrdreg $0xC0  }
0xab: {  	_ =	task [dreg:s7], $0x5FFFF  }
0xac: {  	[dreg:$0x1] =	wrdreg $0xFFFFFFFF  }
0xad: {  	[dreg:$0x0] =	wrdreg $0x60  }
0xae: {  	[dreg:$0x2] =	wrdreg s2  }
0xaf: {  	[dreg:$0x3] =	wrdreg s24  }
0xb0: {  	[dreg:$0x4] =	wrdreg $0x9  }
0xb1: {  	_ =	task.clear_ibuf [dreg:s7], $0x5FFFF;
	_ =	strace $0x90000046  }
0xb2: {  	s29 =	simm.s32 $0x9;
	_ =	strace $0x80000048  }
0xb3: {  	_ =	swait.ge [sflag:s29], $0x1  }
0xb4: {  	[sflag:s29] =	ssyncadd.s32 $0xFFFFFFFF  }
0xb5: {  	_ =	strace $0x90000048  }
0xb6: {  	_ =	sfence  }
0xb7: {  	s30 =	sld [smem:$0x0];
	_ =	sdelay $0x2  }
0xb8: {  	s31 =	sshll.u32 s1, $0xD;
	s1 =	sshrl.u32 s1, $0x2  }
0xb9: {  	s3 =	sand.u32 $0x4000, s31;
	s1 =	sadd.s32 s1, s30  }
0xba: {  	s0 =	sor.u32 s3, s0;
	s1 =	sshll.u32 s1, $0x11  }
0xbb: {  	s0 =	sor.u32 s1, s0  }
0xbc: {  	s0 =	sadd.s32 $0x8F2B, s0  }
0xbd: {  	[sflag:s0] =	ssyncadd.remote.s32 $0x1  }
0xbe: {  	_ =	sfence.sel $0xFFFF  }
0xbf: {  	[dreg:$0x0] =	wrdreg $0xFFFFFFFF;
	(pc) =	sbr.abs _section_cstart, $3  }
0xc0: {  	[dreg:$0x1] =	wrdreg $0xFFFFFFFF  }
0xc1: {  	_ =	task.clear_ibuf [dreg:s7], $0x2FFFF;
	_ =	strace $0x9FFFFFFF  }
0xc2: {  	(tm) =	ssettm $0x7FFFFFFF  }
0xc3: {  	_ =	shalt  }
tec
execute0_lowered:
.L_overlay_start_1:
0x0: {  	(tag) =	ssettag $0x1  }
0x1: {  	s3 =	rddreg [dreg:$0x0]  }
0x2: {  	s4 =	rddreg [dreg:$0x1]  }
0x3: {  	s0 =	rddreg [dreg:$0x2];
	s5 =	srdreg.scid  }
0x4: {  	s2 =	simm.s32 $0x0;
	s1 =	stileid.u32;
	s8 =	simm.s32 $0x40000  }
0x5: {  	s9 =	simm.s32 $0x400;
	s10 =	simm.s32 $0x0;
	s5 =	sand.u32 $0x1, s5  }
0x6: {  	[smem:$0x7FF] =	sst s2;
	s6 =	sshll.u32 s1, $0xB;
	s7 =	sshll.u32 s5, $0xA  }
0x7: {  	_ =	strace $0x80000047;
	s5 =	ssub.s32 $0x2, s5;
	s6 =	sor.u32 s7, s6  }
0x8: {  	s31 =	sshrl.u32 s5, $0x1;
	s4 =	sadd.s32 s6, s4;
	s6 =	sshrl.u32 s6, $0x3  }
0x9: {  	s7 =	simm.s32 $0x2000;
	s5 =	ssub.s32 s5, s31;
	s3 =	sadd.s32 s3, s6  }
0xa: {  	v0 =	vimm.f32 $0.0e+00;
	s4 =	sadd.s32 $0x600, s4;
	s5 =	smax.u32 s5, $0x1;
	s6 =	simm.s32 $0x1  }
.LBB2_1:
0xb: {  	[tilespmem:s2], [sflag:$0x1] =	stream.linear.gather [hbm4b:s3+s2], $0x400, $0x38;
	[tilespmem:$0x4400] =	vst v63  }
0xc: {  	_ =	swait.ge [sflag:s6], $0x400  }
0xd: {  	[sflag:s6] =	ssyncset.done $0x0  }
0xe: {  	[sflag:s6] =	ssyncadd.s32 $0xFFFFFC00  }
0xf: {  	v1 =	vld [tilespmem:s2+$0x0];
	_ =	sdelay $0x4  }
0x10: {  	s11 =	sand.u32 $0x70, s2;
	s12 =	sand.u32 $0x1C00, s2;
	vm0 =	veq.s32 v1, $0x0;
	vm1 =	veq.s32 v1, $0x1;
	vm2 =	veq.s32 v1, $0x6  }
0x11: {  	s11 =	sor.u32 s11, s12;
	v2 =	vsel vm0, $0x3F800000, v0;
	v3 =	vsel vm1, $0x3F800000, v0;
	vm0 =	veq.s32 v1, $0x3  }
0x12: {  	s13 =	simm.s32 $0x10;
	vm1 =	veq.s32 v1, $0x2;
	[tilespmem:s11+$0x400] =	vst v2;
	v4 =	vsel vm0, $0x3F800000, v0;
	v2 =	vsel vm2, $0x3F800000, v0  }
0x13: {  	s14 =	simm.s32 $0x0;
	s15 =	simm.s32 $0x0;
	s12 =	sor.u32 s2, s2;
	[tilespmem:s11+$0x480] =	vst v3;
	v3 =	vsel vm1, $0x3F800000, v0;
	vm1 =	veq.s32 v1, $0x4;
	vm0 =	veq.s32 v1, $0x5  }
.LBB2_2:
0x14: {  	p0 =	sne.s32 s13, $0x3F0;
	[tilespmem:s11+$0x580] =	vst v4;
	v4 =	vsel vm1, $0x3F800000, v0;
	v5 =	vsel vm0, $0x3F800000, v0;
	vm0 =	veq.s32 v1, $0x7;
	s14 =	sadd.s32 $0x80, s14;
	s15 =	sadd.s32 $0x10, s15  }
0x15: {  	vm1 =	veq.s32 v1, $0x8;
	vm2 =	veq.s32 v1, $0xA;
	vm3 =	veq.s32 v1, $0xF;
	s17 =	smov.u32 s13;
	s16 =	sor.u32 s14, s13;
	[tilespmem:s11+$0x500] =	vst v3;
	s13 =	sadd.s32 $0x10, s13  }
0x16: {  	vm4 =	veq.s32 v1, $0x9;
	vm5 =	veq.s32 v1, $0xC;
	vm6 =	veq.s32 v1, $0xE;
	[tilespmem:s11+$0x700] =	vst v2  }
0x17: {  	vm7 =	veq.s32 v1, $0xB;
	vm8 =	veq.s32 v1, $0xD;
	[tilespmem:s11+$0x600] =	vst v4  }
0x18: {  	s18 =	sor.u32 $0x380, s12;
	v1 =	vsel vm0, $0x3F800000, v0;
	s12 =	smov.u32 s16;
	[tilespmem:s11+$0x680] =	vst v5  }
0x19: {  	[tilespmem:s18+$0x400] =	vst v1;
	v1 =	vsel vm1, $0x3F800000, v0  }
0x1a: {  	[tilespmem:s11+$0x2400] =	vst v1;
	v1 =	vsel vm3, $0x3F800000, v0  }
0x1b: {  	v2 =	vsel vm2, $0x3F800000, v0;
	[tilespmem:s11+$0x2780] =	vst v1  }
0x1c: {  	v1 =	vsel vm6, $0x3F800000, v0;
	[tilespmem:s11+$0x2500] =	vst v2  }
0x1d: {  	v2 =	vsel vm4, $0x3F800000, v0;
	[tilespmem:s11+$0x2700] =	vst v1  }
0x1e: {  	v1 =	vsel vm5, $0x3F800000, v0;
	[tilespmem:s11+$0x2480] =	vst v2;
	v2 =	vsel vm8, $0x3F800000, v0  }
0x1f: {  	v3 =	vsel vm7, $0x3F800000, v0;
	[tilespmem:s11+$0x2600] =	vst v1  }
0x20: {  	[tilespmem:s11+$0x2680] =	vst v2  }
0x21: {  	[tilespmem:s11+$0x2580] =	vst v3  }
0x22: {  	v1 =	vld [tilespmem:s15+$0x0];
	_ =	sdelay $0x3  }
.Ltmp0:
0x23: {  	(pc) =	sbr.rel @p0 .LBB2_2-.Ltmp0, $4  }
0x24: {  	s16 =	sand.u32 $0x1C00, s14;
	s11 =	sand.u32 $0x70, s17;
	vm0 =	veq.s32 v1, $0x0;
	vm1 =	veq.s32 v1, $0x1;
	vm2 =	veq.s32 v1, $0x6  }
0x25: {  	s11 =	sor.u32 s11, s16;
	v2 =	vsel vm0, $0x3F800000, v0;
	v3 =	vsel vm1, $0x3F800000, v0;
	vm0 =	veq.s32 v1, $0x3  }
0x26: {  	vm1 =	veq.s32 v1, $0x2;
	[tilespmem:s11+$0x400] =	vst v2;
	v4 =	vsel vm0, $0x3F800000, v0;
	v2 =	vsel vm2, $0x3F800000, v0  }
0x27: {  	vm0 =	veq.s32 v1, $0x5;
	[tilespmem:s11+$0x480] =	vst v3;
	v3 =	vsel vm1, $0x3F800000, v0;
	vm1 =	veq.s32 v1, $0x4  }
0x28: {  	[tilespmem:s11+$0x580] =	vst v4  }
0x29: {  	[tilespmem:s11+$0x500] =	vst v3  }
0x2a: {  	v3 =	vsel vm1, $0x3F800000, v0;
	[tilespmem:s11+$0x700] =	vst v2  }
0x2b: {  	v2 =	vsel vm0, $0x3F800000, v0;
	vm7 =	veq.s32 v1, $0x7;
	[tilespmem:s11+$0x600] =	vst v3  }
0x2c: {  	vm8 =	veq.s32 v1, $0x8;
	s12 =	sor.u32 $0x380, s12;
	vm9 =	veq.s32 v1, $0xF;
	[tilespmem:s11+$0x680] =	vst v2;
	v2 =	vsel vm7, $0x3F800000, v0  }
0x2d: {  	vm10 =	veq.s32 v1, $0xA;
	vm11 =	veq.s32 v1, $0xE;
	[tilespmem:s12+$0x400] =	vst v2;
	v2 =	vsel vm8, $0x3F800000, v0  }
0x2e: {  	vm12 =	veq.s32 v1, $0x9;
	vm14 =	veq.s32 v1, $0xD;
	v3 =	vsel vm10, $0x3F800000, v0;
	[tilespmem:s11+$0x2400] =	vst v2  }
0x2f: {  	vm13 =	veq.s32 v1, $0xC;
	vm15 =	veq.s32 v1, $0xB;
	v1 =	vsel vm14, $0x3F800000, v0;
	[tilespmem:s11+$0x2500] =	vst v3  }
0x30: {  	v2 =	vsel vm9, $0x3F800000, v0;
	[tilespmem:s11+$0x2680] =	vst v1  }
0x31: {  	v3 =	vsel vm12, $0x3F800000, v0;
	[tilespmem:s11+$0x2780] =	vst v2  }
0x32: {  	v2 =	vsel vm11, $0x3F800000, v0;
	[tilespmem:s11+$0x2480] =	vst v3  }
0x33: {  	s10 =	sadd.s32 $0x1, s10;
	[tilespmem:s11+$0x2700] =	vst v2;
	v2 =	vsel vm13, $0x3F800000, v0  }
0x34: {  	p0 =	sne.s32 s10, s5;
	[tilespmem:s11+$0x2600] =	vst v2;
	v2 =	vsel vm15, $0x3F800000, v0  }
.Ltmp1:
0x35: {  	[tilespmem:s11+$0x2580] =	vst v2;
	(pc) =	sbr.rel @p0 .LBB2_1-.Ltmp1, $4  }
0x36: {  	[hbm4b:s4+s7] =	stream.strided.scatter [tilespmem:s9], [sflag:$0x1], $0x4000, s8, s7, $0x38;
	[tilespmem:$0x4400] =	vst v63  }
0x37: {  	_ =	swait.ge [sflag:s6], $0x4000  }
0x38: {  	[sflag:s6] =	ssyncset.done $0x0  }
0x39: {  	[sflag:s6] =	ssyncadd.s32 $0xFFFFC000  }
0x3a: {  	_ =	sfence.sel $0x180000  }
0x3b: {  	[bflag:$0x0] =	sbarrier.arrive $0xFFFF  }
0x3c: {  	p0 =	sne.s32 s1, $0x0;
	_ =	strace $0x90000047  }
0x3d: {  	s0 =	sadd.s32 @!p0 $0x100000, s0;
	[bflag:$0x2] =	sbarrier.arrive $0xFFFF  }
0x3e: {  	[sflag:s0] =	ssyncadd.tile.s32 @!p0 $0x1;
	_ =	shalt  }
.Lfunc_end2:
_tile_overlayer_lowered:
.L_overlay_start_2:
0x3f: {  	(tag) =	ssettag $0x2  }
0x40: {  	s0 =	rddreg [dreg:$0x0];
	s2 =	stileid.u32  }
0x41: {  	s1 =	rddreg [dreg:$0x1];
	p0 =	sne.s32 s2, $0x0  }
0x42: {  	s3 =	rddreg [dreg:$0x2];
	[bflag:$0x3] =	sbarrier.arrive $0xFFFF;
	s2 =	simm.s32 @!p0 $0x1C01  }
0x43: {  	[timem:s3], [sflag:s2] =	dma.local @!p0 [hbm:s0], s1  }
0x44: {  	s0 =	simm.s32 @!p0 $0x1  }
0x45: {  	_ =	swait.ge @!p0 [sflag:s0], s1  }
0x46: {  	s1 =	ssub.s32 @!p0 $0x0, s1;
	[sflag:s0] =	ssyncset.done @!p0 $0x0  }
0x47: {  	[sflag:s0] =	ssyncadd.s32 @!p0 s1  }
0x48: {  	[bflag:$0x3] =	sbarrier.arrive $0xFFFF  }
0x49: {  	_ =	shalt  }

</sc_bundles>
